<compile_context>
chip_gen: v7x
topology: tpu7x:2x2x1
jax: 0.10.2.dev20260603
libtpu: 0.0.44.dev20260713+nightly
codegen_flags: <defaults>
</compile_context>

<pallas_src>
import functools

import jax
import jax.numpy as jnp
from jax import lax
from jax.experimental import pallas as pl
from jax.experimental.pallas import tpu as pltpu
from jax.experimental.pallas import tpu_sc as plsc

B, H, T_CACHE, D = 8, 16, 4096, 128
T_NEW = 2048
_ROWS = B * H * T_NEW
_BM = 16384

_NC = 2
_NS = 16


def _copy_body(src_ref, dst_ref):
    dst_ref[...] = src_ref[...]


def _copy_one(x2):
    return pl.pallas_call(
        _copy_body,
        grid=(_ROWS // _BM,),
        in_specs=[pl.BlockSpec((_BM, D), lambda i: (i, 0))],
        out_specs=pl.BlockSpec((_BM, D), lambda i: (i, 0)),
        out_shape=jax.ShapeDtypeStruct((_ROWS, D), x2.dtype),
        compiler_params=pltpu.CompilerParams(
            dimension_semantics=("arbitrary",),
        ),
    )(x2)


@functools.partial(
    pl.kernel,
    out_type=jax.ShapeDtypeStruct((B, T_CACHE), jnp.int32),
    mesh=plsc.VectorSubcoreMesh(core_axis_name="c", subcore_axis_name="s"),
    scratch_types=[pltpu.VMEM((T_NEW,), jnp.int32)],
)
def _pos_kernel(ip_hbm, pos_in_hbm, out_hbm, ibuf):
    wid = lax.axis_index("s") * _NC + lax.axis_index("c")
    row = wid % B

    @pl.when(wid < B)
    def _():
        pltpu.sync_copy(ip_hbm, ibuf)
        pltpu.sync_copy(ibuf, out_hbm.at[row, pl.ds(0, T_NEW)])

    @pl.when(jnp.logical_and(wid >= B, wid < 2 * B))
    def _():
        pltpu.sync_copy(pos_in_hbm.at[row, pl.ds(T_NEW, T_CACHE - T_NEW)],
                        ibuf)
        pltpu.sync_copy(ibuf, out_hbm.at[row, pl.ds(T_NEW, T_CACHE - T_NEW)])


def kernel(input_pos, k_val, v_val, k_cache, v_cache, pos):
    ip = input_pos.astype(jnp.int32)
    pos2d = pos.reshape(B, T_CACHE)
    kv2 = k_val.reshape(_ROWS, D)
    vv2 = v_val.reshape(_ROWS, D)

    k_out = _copy_one(kv2)
    pos_out = _pos_kernel(ip, pos2d)
    v_out = _copy_one(vv2)

    k = k_out.reshape(B, H, T_NEW, D)
    v = v_out.reshape(B, H, T_NEW, D)
    return (k, v, pos_out.reshape(B, 1, T_CACHE))

# --- scband reference (transcript-rebuilt; emitter-appended) ---
"""Pipeline reference for scband-kvcache-70265664963052 (READ-ONLY COPY).

The authoritative reference and input builder live on the scoring server;
editing this copy changes nothing except your own understanding.
"""

import jax, jax.numpy as jnp
import numpy as np

B, H, T_CACHE, D = 8, 16, 4096, 128
T_NEW = 2048

def setup_inputs(seed: int = 0) -> dict:
    key = jax.random.key(seed)
    k1, k2 = jax.random.split(key)
    input_pos = jnp.arange(T_NEW, dtype=jnp.int64) if jax.config.jax_enable_x64 else jnp.arange(T_NEW, dtype=jnp.int32)
    k_val = jax.random.normal(k1, (B, H, T_NEW, D), dtype=jnp.float32)
    v_val = jax.random.normal(k2, (B, H, T_NEW, D), dtype=jnp.float32)
    # buffers (registered buffers in the torch module)
    k_cache = jnp.zeros((B, H, T_CACHE, D), dtype=jnp.float32)
    v_cache = jnp.zeros((B, H, T_CACHE, D), dtype=jnp.float32)
    pos = jnp.full((B, 1, T_CACHE), -1, dtype=jnp.int32)
    return {"input_pos": input_pos, "k_val": k_val, "v_val": v_val,
            "k_cache": k_cache, "v_cache": v_cache, "pos": pos}

def reference(input_pos, k_val, v_val, k_cache, v_cache, pos):
    # KVCache.update on prefill (num_tokens > 1, no prompt overflow):
    # fill_contiguous writes tokens into slots [insertions, insertions+num_new) = [0, T_NEW)
    num_tokens = k_val.shape[2]
    slots = jnp.arange(num_tokens)
    # scatter-overwrite into the cache buffers (maps to SparseCore scatter .at[].set)
    k_cache = k_cache.at[:, :, slots, :].set(k_val)
    v_cache = v_cache.at[:, :, slots, :].set(v_val)
    pos = pos.at[:, :, slots].set(
        jnp.broadcast_to(input_pos.astype(jnp.int32)[None, None, :],
                         (pos.shape[0], pos.shape[1], num_tokens)))
    # insertions (=num_tokens) < max_cache_length -> return truncated views
    k = k_cache[:, :, :num_tokens, :]
    v = v_cache[:, :, :num_tokens, :]
    return (k, v, pos)

if __name__ == "__main__":
    import jax
    _d = setup_inputs()
    print(jax.jit(kernel)(*tuple(_d.values())))

</pallas_src>

<mosaic_0001>
#map = affine_map<(d0, d1) -> (0)>
#map1 = affine_map<(d0, d1) -> (0, 0)>
module attributes {stable_mosaic.version = 14 : i64} {
  func.func @_pos_kernel(%arg0: i32, %arg1: i32, %arg2: memref<2048xi32, #tpu.memory_space<hbm>>, %arg3: memref<8x4096xi32, #tpu.memory_space<hbm>>, %arg4: memref<8x4096xi32, #tpu.memory_space<hbm>>, %arg5: memref<2048xi32, #tpu.memory_space<vmem>>) attributes {dimension_semantics = [#tpu.dimension_semantics<core_parallel>, #tpu.dimension_semantics<subcore_parallel>], iteration_bounds = array<i64: 2, 16>, scalar_prefetch = 0 : i64, scratch_operands = 1 : i64, tpu.core_type = #tpu.core_type<sc_vector_subcore>, window_params = [{transform_indices = #map}, {transform_indices = #map1}, {transform_indices = #map1}]} {
    %mul3A = arith.constant 2 : i32
    %mul3A_0 = arith.muli %arg1, %mul3A : i32
    %add3A = arith.addi %mul3A_0, %arg0 : i32
    %jit3A = arith.constant 8 : i32
    %eq3A = arith.constant 0 : i32
    %eq3A_1 = arith.cmpi eq, %jit3A, %eq3A : i32
    %jit3A_2 = arith.constant 1 : i32
    %select_n3A = arith.select %eq3A_1, %jit3A_2, %jit3A : i32
    %rem3A = arith.remsi %add3A, %select_n3A : i32
    %ne3A = arith.constant 0 : i32
    %ne3A_3 = arith.cmpi ne, %rem3A, %ne3A : i32
    %lt3A = arith.constant 0 : i32
    %lt3A_4 = arith.cmpi slt, %rem3A, %lt3A : i32
    %lt3A_5 = arith.constant 0 : i32
    %lt3A_6 = arith.cmpi slt, %select_n3A, %lt3A_5 : i32
    %ne3A_7 = arith.xori %lt3A_4, %lt3A_6 : i1
    %and3A = arith.andi %ne3A_7, %ne3A_3 : i1
    %add3A_8 = arith.addi %rem3A, %select_n3A : i32
    %select_n3A_9 = arith.select %and3A, %add3A_8, %rem3A : i32
    %lt3A_10 = arith.constant 8 : i32
    %lt3A_11 = arith.cmpi slt, %add3A, %lt3A_10 : i32
    %convert_element_type3A = arith.extui %lt3A_11 : i1 to i32
    %cond3A = arith.constant 0 : i32
    %cond3A_12 = arith.cmpi ne, %convert_element_type3A, %cond3A : i32
    scf.if %cond3A_12 {
      "tpu.region"() ({
        %run_scoped3A = tpu.sem_alloc : memref<!tpu.dma_semaphore, #tpu.memory_space<semaphore_mem>>
        tpu.enqueue_dma source(%arg2 : memref<2048xi32, #tpu.memory_space<hbm>>) target(%arg5 : memref<2048xi32, #tpu.memory_space<vmem>>) target_semaphore(%run_scoped3A : memref<!tpu.dma_semaphore, #tpu.memory_space<semaphore_mem>>)
        tpu.wait_dma2 semaphore(%run_scoped3A : memref<!tpu.dma_semaphore, #tpu.memory_space<semaphore_mem>>) src(%arg2 : memref<2048xi32, #tpu.memory_space<hbm>>) dst(%arg5 : memref<2048xi32, #tpu.memory_space<vmem>>)
        tpu.yield
      }) : () -> ()
      "tpu.region"() ({
        %run_scoped3A = tpu.sem_alloc : memref<!tpu.dma_semaphore, #tpu.memory_space<semaphore_mem>>
        %dma_start3A = arith.constant 0 : i32
        %dma_start3A_20 = tpu.memref_slice %arg4[%select_n3A_9, %dma_start3A] : memref<8x4096xi32, #tpu.memory_space<hbm>> -> memref<1x2048xi32, #tpu.memory_space<hbm>>
        %dma_start3A_21 = tpu.memref_squeeze %dma_start3A_20 : memref<1x2048xi32, #tpu.memory_space<hbm>> -> memref<2048xi32, #tpu.memory_space<hbm>>
        %dma_start3A_22 = arith.constant 0 : i32
        %dma_start3A_23 = tpu.memref_slice %arg4[%select_n3A_9, %dma_start3A_22] : memref<8x4096xi32, #tpu.memory_space<hbm>> -> memref<1x2048xi32, #tpu.memory_space<hbm>>
        %dma_start3A_24 = tpu.memref_squeeze %dma_start3A_23 : memref<1x2048xi32, #tpu.memory_space<hbm>> -> memref<2048xi32, #tpu.memory_space<hbm>>
        tpu.enqueue_dma source(%arg5 : memref<2048xi32, #tpu.memory_space<vmem>>) target(%dma_start3A_24 : memref<2048xi32, #tpu.memory_space<hbm>>) target_semaphore(%run_scoped3A : memref<!tpu.dma_semaphore, #tpu.memory_space<semaphore_mem>>)
        %dma_wait3A = arith.constant 0 : i32
        %dma_wait3A_25 = tpu.memref_slice %arg4[%select_n3A_9, %dma_wait3A] : memref<8x4096xi32, #tpu.memory_space<hbm>> -> memref<1x2048xi32, #tpu.memory_space<hbm>>
        %dma_wait3A_26 = tpu.memref_squeeze %dma_wait3A_25 : memref<1x2048xi32, #tpu.memory_space<hbm>> -> memref<2048xi32, #tpu.memory_space<hbm>>
        %dma_wait3A_27 = arith.constant 0 : i32
        %dma_wait3A_28 = tpu.memref_slice %arg4[%select_n3A_9, %dma_wait3A_27] : memref<8x4096xi32, #tpu.memory_space<hbm>> -> memref<1x2048xi32, #tpu.memory_space<hbm>>
        %dma_wait3A_29 = tpu.memref_squeeze %dma_wait3A_28 : memref<1x2048xi32, #tpu.memory_space<hbm>> -> memref<2048xi32, #tpu.memory_space<hbm>>
        tpu.wait_dma2 semaphore(%run_scoped3A : memref<!tpu.dma_semaphore, #tpu.memory_space<semaphore_mem>>) src(%arg5 : memref<2048xi32, #tpu.memory_space<vmem>>) dst(%dma_wait3A_29 : memref<2048xi32, #tpu.memory_space<hbm>>)
        tpu.yield
      }) : () -> ()
    } else {
    }
    %ge3A = arith.constant 8 : i32
    %ge3A_13 = arith.cmpi sge, %add3A, %ge3A : i32
    %lt3A_14 = arith.constant 16 : i32
    %lt3A_15 = arith.cmpi slt, %add3A, %lt3A_14 : i32
    %and3A_16 = arith.andi %ge3A_13, %lt3A_15 : i1
    %convert_element_type3A_17 = arith.extui %and3A_16 : i1 to i32
    %cond3A_18 = arith.constant 0 : i32
    %cond3A_19 = arith.cmpi ne, %convert_element_type3A_17, %cond3A_18 : i32
    scf.if %cond3A_19 {
      "tpu.region"() ({
        %run_scoped3A = tpu.sem_alloc : memref<!tpu.dma_semaphore, #tpu.memory_space<semaphore_mem>>
        %dma_start3A = arith.constant 2048 : i32
        %dma_start3A_20 = tpu.memref_slice %arg3[%select_n3A_9, %dma_start3A] : memref<8x4096xi32, #tpu.memory_space<hbm>> -> memref<1x2048xi32, #tpu.memory_space<hbm>>
        %dma_start3A_21 = tpu.memref_squeeze %dma_start3A_20 : memref<1x2048xi32, #tpu.memory_space<hbm>> -> memref<2048xi32, #tpu.memory_space<hbm>>
        %dma_start3A_22 = arith.constant 2048 : i32
        %dma_start3A_23 = tpu.memref_slice %arg3[%select_n3A_9, %dma_start3A_22] : memref<8x4096xi32, #tpu.memory_space<hbm>> -> memref<1x2048xi32, #tpu.memory_space<hbm>>
        %dma_start3A_24 = tpu.memref_squeeze %dma_start3A_23 : memref<1x2048xi32, #tpu.memory_space<hbm>> -> memref<2048xi32, #tpu.memory_space<hbm>>
        tpu.enqueue_dma source(%dma_start3A_24 : memref<2048xi32, #tpu.memory_space<hbm>>) target(%arg5 : memref<2048xi32, #tpu.memory_space<vmem>>) target_semaphore(%run_scoped3A : memref<!tpu.dma_semaphore, #tpu.memory_space<semaphore_mem>>)
        %dma_wait3A = arith.constant 2048 : i32
        %dma_wait3A_25 = tpu.memref_slice %arg3[%select_n3A_9, %dma_wait3A] : memref<8x4096xi32, #tpu.memory_space<hbm>> -> memref<1x2048xi32, #tpu.memory_space<hbm>>
        %dma_wait3A_26 = tpu.memref_squeeze %dma_wait3A_25 : memref<1x2048xi32, #tpu.memory_space<hbm>> -> memref<2048xi32, #tpu.memory_space<hbm>>
        %dma_wait3A_27 = arith.constant 2048 : i32
        %dma_wait3A_28 = tpu.memref_slice %arg3[%select_n3A_9, %dma_wait3A_27] : memref<8x4096xi32, #tpu.memory_space<hbm>> -> memref<1x2048xi32, #tpu.memory_space<hbm>>
        %dma_wait3A_29 = tpu.memref_squeeze %dma_wait3A_28 : memref<1x2048xi32, #tpu.memory_space<hbm>> -> memref<2048xi32, #tpu.memory_space<hbm>>
        tpu.wait_dma2 semaphore(%run_scoped3A : memref<!tpu.dma_semaphore, #tpu.memory_space<semaphore_mem>>) src(%dma_wait3A_29 : memref<2048xi32, #tpu.memory_space<hbm>>) dst(%arg5 : memref<2048xi32, #tpu.memory_space<vmem>>)
        tpu.yield
      }) : () -> ()
      "tpu.region"() ({
        %run_scoped3A = tpu.sem_alloc : memref<!tpu.dma_semaphore, #tpu.memory_space<semaphore_mem>>
        %dma_start3A = arith.constant 2048 : i32
        %dma_start3A_20 = tpu.memref_slice %arg4[%select_n3A_9, %dma_start3A] : memref<8x4096xi32, #tpu.memory_space<hbm>> -> memref<1x2048xi32, #tpu.memory_space<hbm>>
        %dma_start3A_21 = tpu.memref_squeeze %dma_start3A_20 : memref<1x2048xi32, #tpu.memory_space<hbm>> -> memref<2048xi32, #tpu.memory_space<hbm>>
        %dma_start3A_22 = arith.constant 2048 : i32
        %dma_start3A_23 = tpu.memref_slice %arg4[%select_n3A_9, %dma_start3A_22] : memref<8x4096xi32, #tpu.memory_space<hbm>> -> memref<1x2048xi32, #tpu.memory_space<hbm>>
        %dma_start3A_24 = tpu.memref_squeeze %dma_start3A_23 : memref<1x2048xi32, #tpu.memory_space<hbm>> -> memref<2048xi32, #tpu.memory_space<hbm>>
        tpu.enqueue_dma source(%arg5 : memref<2048xi32, #tpu.memory_space<vmem>>) target(%dma_start3A_24 : memref<2048xi32, #tpu.memory_space<hbm>>) target_semaphore(%run_scoped3A : memref<!tpu.dma_semaphore, #tpu.memory_space<semaphore_mem>>)
        %dma_wait3A = arith.constant 2048 : i32
        %dma_wait3A_25 = tpu.memref_slice %arg4[%select_n3A_9, %dma_wait3A] : memref<8x4096xi32, #tpu.memory_space<hbm>> -> memref<1x2048xi32, #tpu.memory_space<hbm>>
        %dma_wait3A_26 = tpu.memref_squeeze %dma_wait3A_25 : memref<1x2048xi32, #tpu.memory_space<hbm>> -> memref<2048xi32, #tpu.memory_space<hbm>>
        %dma_wait3A_27 = arith.constant 2048 : i32
        %dma_wait3A_28 = tpu.memref_slice %arg4[%select_n3A_9, %dma_wait3A_27] : memref<8x4096xi32, #tpu.memory_space<hbm>> -> memref<1x2048xi32, #tpu.memory_space<hbm>>
        %dma_wait3A_29 = tpu.memref_squeeze %dma_wait3A_28 : memref<1x2048xi32, #tpu.memory_space<hbm>> -> memref<2048xi32, #tpu.memory_space<hbm>>
        tpu.wait_dma2 semaphore(%run_scoped3A : memref<!tpu.dma_semaphore, #tpu.memory_space<semaphore_mem>>) src(%arg5 : memref<2048xi32, #tpu.memory_space<vmem>>) dst(%dma_wait3A_29 : memref<2048xi32, #tpu.memory_space<hbm>>)
        tpu.yield
      }) : () -> ()
    } else {
    }
    return
  }
}

module attributes {stable_mosaic.version = 14 : i64} {
  func.func @_copy_body(%arg0: i32, %arg1: memref<16384x128xf32, #tpu.memory_space<vmem>>, %arg2: memref<16384x128xf32, #tpu.memory_space<vmem>>) attributes {dimension_semantics = [#tpu.dimension_semantics<arbitrary>], iteration_bounds = array<i64: 16>, scalar_prefetch = 0 : i64, scratch_operands = 0 : i64, tpu.core_type = #tpu.core_type<tc>, window_params = [{transform_indices = @transform_0, window_bounds = array<i64: 16384, 128>}, {transform_indices = @transform_1, window_bounds = array<i64: 16384, 128>}]} {
    %get3A = arith.constant 0 : index
    %get3A_0 = arith.constant 0 : index
    %get3A_1 = vector.load %arg1[%get3A, %get3A_0] : memref<16384x128xf32, #tpu.memory_space<vmem>>, vector<16384x128xf32>
    %swap3A = arith.constant 0 : index
    %swap3A_2 = arith.constant 0 : index
    %swap3A_3 = vector.load %arg2[%swap3A, %swap3A_2] : memref<16384x128xf32, #tpu.memory_space<vmem>>, vector<16384x128xf32>
    tpu.vector_store %arg2[%swap3A, %swap3A_2], %get3A_1 {strides = array<i32>} : memref<16384x128xf32, #tpu.memory_space<vmem>>, vector<16384x128xf32>,
    return
  }
  func.func @transform_0(%arg0: i32) -> (i32, i32) {
    %c0_i32 = arith.constant 0 : i32
    %c0_i32_0 = arith.constant 0 : i32
    return %arg0, %c0_i32 : i32, i32
  }
  func.func @transform_1(%arg0: i32) -> (i32, i32) {
    %c0_i32 = arith.constant 0 : i32
    %c0_i32_0 = arith.constant 0 : i32
    return %arg0, %c0_i32 : i32, i32
  }
}

</mosaic_0001>

<sc_bundles>
// kernel: kernel.5.cloned.1.call-start
scs
__scs_entry_jumppad:
0x0: {  	(pc) =	sbr.rel $0x88, $3  }
0x1: {  	(tag) =	ssettag $0x0;
	lr =	simm.s32 $0x1  }
0x2: {  	[smem:$0x3F9D] =	sst lr;
	_ =	strace $0xD0000000  }
0x3: {  	_ = 	snop  }
0x4: {  	_ = 	snop  }
0x5: {  	_ = 	snop  }
0x6: {  	_ = 	snop  }
0x7: {  	_ = 	snop  }
__scs_overlays_trampoline_lowered:
0x8: {  	[smem:$0x3FAC] =	sst s0  }
0x9: {  	[smem:$0x3FAD] =	sst s1  }
0xa: {  	[smem:$0x3FAE] =	sst s2  }
0xb: {  	[smem:$0x3FAF] =	sst s3  }
0xc: {  	[smem:$0x3FB0] =	sst s4  }
0xd: {  	[smem:$0x3FB1] =	sst s5  }
0xe: {  	[smem:$0x3FB2] =	sst s6  }
0xf: {  	[smem:$0x3FB3] =	sst s7  }
0x10: {  	[smem:$0x3FB4] =	sst s8  }
0x11: {  	[smem:$0x3FB5] =	sst s9;
	s0 =	simm.s32 @!p0 $0x0  }
0x12: {  	s1 =	sld [smem:$0x3F9B];
	s0 =	simm.s32 @p0 $0x1  }
0x13: {  	[smem:$0x3FB6] =	sst s0;
	s0 =	simm.s32 @!p1 $0x0  }
0x14: {  	s2 =	sld [smem:$0x3F9A];
	s0 =	simm.s32 @p1 $0x1  }
0x15: {  	[smem:$0x3FB7] =	sst s0;
	s0 =	simm.s32 @!p2 $0x0  }
0x16: {  	s3 =	sld [smem:$0x3FDB];
	s0 =	simm.s32 @p2 $0x1  }
0x17: {  	s4 =	simm.s32 $0x1BF5;
	[smem:$0x3FB9] =	sst s0  }
0x18: {  	s0 =	sld [smem:$0x3F9C];
	_ =	swait.ge [sflag:s4], $0x0  }
0x19: {  	s7 =	sld [smem:$0x3F9D]  }
0x1a: {  	s8 =	sadd.s32 $0xFFFFE003, lr  }
0x1b: {  	s9 =	sadd.s32 $0xFFFFFEF7, lr;
	s5 =	simm.s32 $0xFFFFFFFF;
	p2 =	slt.u32 s8, $0xFFFFF086  }
0x1c: {  	p1 =	slt.u32 s9, $0xF7A;
	s5 =	simm.s32 @!p2 $0x0  }
0x1d: {  	s5 =	simm.s32 @p1 $0x1;
	p0 =	seq.s32 s7, s2  }
0x1e: {  	s7 =	smul.u32 @!p0 $0xF7A, s2;
	p2 =	seq.s32 @!p0 s5, $0x0  }
0x1f: {  	s9 =	smul.u32 $0xF7A, s1;
	s8 =	simm.s32 @!p0 $0x1BF5;
	p2 =	por !p2, p0  }
0x20: {  	[sflag:s8] =	ssyncset.s32 @!p0 $0xFFFFF086;
	s6 =	sadd.s32 @!p0 s3, s7;
	s7 =	simm.s32 @!p0 $0x108  }
0x21: {  	s3 =	sadd.s32 s3, s9;
	s6 =	sadd.s32 @!p0 $0x88, s6;
	s7 =	simm.s32 @p2 $0x1082  }
0x22: {  	[simem:s7], [sflag:s8] =	dma.local @!p0 [hbm:s6], $0xF7A  }
0x23: {  	s9 =	sor.u32 $0xD0000000, s2;
	s6 =	simm.s32 $0x108;
	_ =	swait.ge @!p0 [sflag:s8], $0x0  }
0x24: {  	s3 =	sadd.s32 $0x88, s3;
	s6 =	simm.s32 @!p1 $0x1082;
	[sflag:s4] =	ssyncset.s32 $0xFFFFF086  }
0x25: {  	[simem:s6], [sflag:s4] =	dma.local [hbm:s3], $0xF7A  }
0x26: {  	[smem:$0x3F9D] =	sst s1;
	(tag) =	ssettag s2;
	_ =	strace s9  }
0x27: {  	s1 =	sld [smem:$0x3FAD]  }
0x28: {  	s2 =	sld [smem:$0x3FAE]  }
0x29: {  	s4 =	sld [smem:$0x3FB0]  }
0x2a: {  	p0 =	seq.s32 s5, $0x0;
	s5 =	sld [smem:$0x3FB1]  }
0x2b: {  	s6 =	sld [smem:$0x3FB2]  }
0x2c: {  	s7 =	sld [smem:$0x3FB3]  }
0x2d: {  	s3 =	simm.s32 $0x108;
	s8 =	sld [smem:$0x3FB4]  }
0x2e: {  	s3 =	simm.s32 @!p0 $0x1082;
	s9 =	sld [smem:$0x3FB5]  }
0x2f: {  	lr =	sadd.s32 s0, s3;
	s0 =	sld [smem:$0x3FAC]  }
0x30: {  	s3 =	sld [smem:$0x3FAF]  }
0x31: {  	[smem:$0x3FB8] =	sst s10  }
0x32: {  	s10 =	sld [smem:$0x3FB6];
	_ =	sdelay $0x3  }
0x33: {  	p0 =	seq.s32 s10, $0x1;
	s10 =	sld [smem:$0x3FB8];
	_ =	sdelay $0x3  }
0x34: {  	[smem:$0x3FB8] =	sst s10  }
0x35: {  	s10 =	sld [smem:$0x3FB7];
	_ =	sdelay $0x3  }
0x36: {  	p1 =	seq.s32 s10, $0x1;
	s10 =	sld [smem:$0x3FB8];
	_ =	sdelay $0x3  }
0x37: {  	[smem:$0x3FB8] =	sst s10  }
0x38: {  	s10 =	sld [smem:$0x3FB9]  }
0x39: {  	_ = 	snop;
	(pc) =	sbr.ind lr, $3  }
0x3a: {  	_ = 	snop  }
0x3b: {  	_ = 	snop  }
0x3c: {  	p2 =	seq.s32 s10, $0x1;
	s10 =	sld [smem:$0x3FB8]  }
0x3d: {  	_ =	shalt  }
0x3e: {  	_ =	shalt  }
0x3f: {  	_ =	shalt  }
0x40: {  	_ =	shalt  }
0x41: {  	_ =	shalt  }
0x42: {  	_ =	shalt  }
0x43: {  	_ =	shalt  }
0x44: {  	_ =	shalt  }
0x45: {  	_ =	shalt  }
0x46: {  	_ =	shalt  }
0x47: {  	_ =	shalt  }
0x48: {  	_ =	shalt  }
0x49: {  	_ =	shalt  }
0x4a: {  	_ =	shalt  }
0x4b: {  	_ =	shalt  }
0x4c: {  	_ =	shalt  }
0x4d: {  	_ =	shalt  }
0x4e: {  	_ =	shalt  }
0x4f: {  	_ =	shalt  }
0x50: {  	_ =	shalt  }
0x51: {  	_ =	shalt  }
0x52: {  	_ =	shalt  }
0x53: {  	_ =	shalt  }
0x54: {  	_ =	shalt  }
0x55: {  	_ =	shalt  }
0x56: {  	_ =	shalt  }
0x57: {  	_ =	shalt  }
0x58: {  	_ =	shalt  }
0x59: {  	_ =	shalt  }
0x5a: {  	_ =	shalt  }
0x5b: {  	_ =	shalt  }
0x5c: {  	_ =	shalt  }
0x5d: {  	_ =	shalt  }
0x5e: {  	_ =	shalt  }
0x5f: {  	_ =	shalt  }
0x60: {  	_ =	shalt  }
0x61: {  	_ =	shalt  }
0x62: {  	_ =	shalt  }
0x63: {  	_ =	shalt  }
0x64: {  	_ =	shalt  }
0x65: {  	_ =	shalt  }
0x66: {  	_ =	shalt  }
0x67: {  	_ =	shalt  }
0x68: {  	_ =	shalt  }
0x69: {  	_ =	shalt  }
0x6a: {  	_ =	shalt  }
0x6b: {  	_ =	shalt  }
0x6c: {  	_ =	shalt  }
0x6d: {  	_ =	shalt  }
0x6e: {  	_ =	shalt  }
0x6f: {  	_ =	shalt  }
0x70: {  	_ =	shalt  }
0x71: {  	_ =	shalt  }
0x72: {  	_ =	shalt  }
0x73: {  	_ =	shalt  }
0x74: {  	_ =	shalt  }
0x75: {  	_ =	shalt  }
0x76: {  	_ =	shalt  }
0x77: {  	_ =	shalt  }
0x78: {  	_ =	shalt  }
0x79: {  	_ =	shalt  }
0x7a: {  	_ =	shalt  }
0x7b: {  	_ =	shalt  }
0x7c: {  	_ =	shalt  }
0x7d: {  	_ =	shalt  }
0x7e: {  	_ =	shalt  }
0x7f: {  	_ =	shalt  }
0x80: {  	_ =	shalt  }
0x81: {  	_ =	shalt  }
0x82: {  	_ =	shalt  }
0x83: {  	_ =	shalt  }
0x84: {  	_ =	shalt  }
0x85: {  	_ =	shalt  }
0x86: {  	_ =	shalt  }
0x87: {  	_ =	shalt  }
.Lfunc_end0:
.L_simem_size_0:
called_computation_lowered:
.L_overlay_start_0:
0x88: {  	s2 =	sld [smem:$0x3FD9]  }
0x89: {  	s3 =	sld [smem:$0x3FFE];
	_ =	sdelay $0x1  }
0x8a: {  	s1 =	srdreg.scid  }
0x8b: {  	s0 =	sand.u32 $0x1, s1  }
0x8c: {  	s14 =	sshll.u32 s0, $0xA;
	s2 =	sadd.s32 s3, s2  }
0x8d: {  	s2 =	sadd.s32 s2, s14  }
0x8e: {  	[smem:$0x3FC4] =	sst s2  }
0x8f: {  	_ = 	snop  }
0x90: {  	s2 =	sld [smem:$0x3FD0];
	_ =	sdelay $0x2  }
0x91: {  	s4 =	simm.s32 $0xA;
	s5 =	simm.s32 $0x10;
	s15 =	sld [smem:$0x3FC9]  }
0x92: {  	[smem:s5], [sflag:s4] =	dma.local [hbm:s2], $0x1  }
0x93: {  	_ =	swait.eq [sflag:s4], $0x1  }
0x94: {  	[sflag:s4] =	ssyncset.done $0x0  }
0x95: {  	[sflag:s4] =	ssyncadd.s32 $0xFFFFFFFF  }
0x96: {  	s16 =	sld [smem:$0x12];
	(tm) =	ssettm $0x1  }
0x97: {  	s17 =	sld [smem:$0x3FFB];
	_ =	sdelay $0x3  }
0x98: {  	_ =	strace s17  }
0x99: {  	s4 =	sld [smem:$0x3FFC];
	_ =	sdelay $0x3  }
0x9a: {  	_ =	strace s4  }
0x9b: {  	s4 =	sld [smem:$0x3FFD];
	_ =	sdelay $0x3  }
0x9c: {  	_ =	strace s4  }
0x9d: {  	_ =	strace $0x8FFFFFFF  }
0x9e: {  	s18 =	sld [smem:$0x3FDB];
	_ =	sdelay $0x1  }
0x9f: {  	s19 =	simm.s32 $_scs_section_size  }
0xa0: {  	s6 =	simm.s32 $_size__tile_overlayer_lowered;
	s7 =	simm.s32 $_tile_overlayer_lowered  }
0xa1: {  	s22 =	simm.s32 $0x1BFF;
	s21 =	sshll.u32 s7, $0x1;
	s4 =	sadd.s32 s19, s18  }
0xa2: {  	s8 =	simm.s32 $0x0;
	s20 =	sshll.u32 s6, $0x1;
	s6 =	sadd.s32 s21, s4  }
0xa3: {  	[timem:s8], [sflag:s22] =	dma.local [hbm:s6], s20  }
0xa4: {  	_ =	swait.ge [sflag:s22], s20  }
0xa5: {  	s5 =	ssub.s32 $0x0, s20;
	[sflag:s22] =	ssyncset.done $0x0  }
0xa6: {  	[sflag:s22] =	ssyncadd.s32 s5;
	_ =	sdelay $0x1  }
0xa7: {  	s23 =	simm.s32 $0x1B8B  }
0xa8: {  	_ =	swait.ge [sflag:s23], $0x1  }
0xa9: {  	[sflag:s23] =	ssyncset.done $0x0  }
0xaa: {  	s25 =	simm.s32 $0x1B8E;
	s24 =	sld [smem:$0x3FFE];
	[sflag:s23] =	ssyncadd.s32 $0xFFFFFFFF  }
0xab: {  	s26 =	simm.s32 $execute0_lowered;
	[smem:$0x3FD2] =	sst s25  }
0xac: {  	s6 =	sshll.u32 s26, $0x1;
	_ =	strace $0x80000046;
	[dreg:$0x1] =	wrdreg $0xFFFFFFFF  }
0xad: {  	s28 =	simm.s32 $_size_execute0_lowered;
	s4 =	sadd.s32 s4, s6;
	[dreg:$0x0] =	wrdreg $0x0  }
0xae: {  	s6 =	sshll.u32 s28, $0x1;
	[dreg:$0x2] =	wrdreg s4  }
0xaf: {  	[dreg:$0x3] =	wrdreg s6  }
0xb0: {  	[dreg:$0x4] =	wrdreg $0xC0  }
0xb1: {  	_ =	task [dreg:s8], $0x5FFFF  }
0xb2: {  	[dreg:$0x1] =	wrdreg $0xFFFFFFFF  }
0xb3: {  	[dreg:$0x0] =	wrdreg $0x60  }
0xb4: {  	[dreg:$0x2] =	wrdreg s15  }
0xb5: {  	[dreg:$0x3] =	wrdreg s16  }
0xb6: {  	[dreg:$0x4] =	wrdreg s24  }
0xb7: {  	[dreg:$0x5] =	wrdreg $0x9  }
0xb8: {  	_ =	task.clear_ibuf [dreg:s8], $0x6FFFF;
	_ =	strace $0x90000046  }
0xb9: {  	s29 =	simm.s32 $0x9;
	_ =	strace $0x80000048  }
0xba: {  	_ =	swait.ge [sflag:s29], $0x1  }
0xbb: {  	[sflag:s29] =	ssyncadd.s32 $0xFFFFFFFF  }
0xbc: {  	_ =	strace $0x90000048  }
0xbd: {  	_ =	sfence  }
0xbe: {  	s30 =	sld [smem:$0x0];
	_ =	sdelay $0x2  }
0xbf: {  	s31 =	sshll.u32 s1, $0xD;
	s1 =	sshrl.u32 s1, $0x2  }
0xc0: {  	s3 =	sand.u32 $0x4000, s31;
	s1 =	sadd.s32 s1, s30  }
0xc1: {  	s0 =	sor.u32 s3, s0;
	s1 =	sshll.u32 s1, $0x11  }
0xc2: {  	s0 =	sor.u32 s1, s0  }
0xc3: {  	s0 =	sadd.s32 $0x8F2B, s0  }
0xc4: {  	[sflag:s0] =	ssyncadd.remote.s32 $0x1  }
0xc5: {  	_ =	sfence.sel $0xFFFF  }
0xc6: {  	[dreg:$0x0] =	wrdreg $0xFFFFFFFF;
	(pc) =	sbr.abs _section_cstart, $3  }
0xc7: {  	[dreg:$0x1] =	wrdreg $0xFFFFFFFF  }
0xc8: {  	_ =	task.clear_ibuf [dreg:s8], $0x2FFFF;
	_ =	strace $0x9FFFFFFF  }
0xc9: {  	(tm) =	ssettm $0x7FFFFFFF  }
tec
execute0_lowered:
.L_overlay_start_1:
0x0: {  	(tag) =	ssettag $0x1  }
0x1: {  	s5 =	srdreg.scid  }
0x2: {  	s5 =	sand.u32 $0x1, s5  }
0x3: {  	s8 =	ssub.s32 $0x2, s5  }
0x4: {  	s26 =	sshrl.u32 s8, $0x1  }
0x5: {  	s4 =	rddreg [dreg:$0x2];
	s29 =	ssub.s32 s8, s26  }
0x6: {  	s2 =	rddreg [dreg:$0x0];
	s28 =	sadd.s32 $0x400, s4;
	s4 =	smax.u32 s29, $0x1  }
0x7: {  	s3 =	rddreg [dreg:$0x1];
	s1 =	stileid.u32;
	s14 =	sadd.s32 $0xFFFFFFFF, s4  }
0x8: {  	s0 =	rddreg [dreg:$0x3];
	s6 =	sshll.u32 s1, $0x1;
	p3 =	sne.s32 s14, $0x0  }
.Ltmp0:
0x9: {  	s7 =	simm.s32 $0x0;
	s6 =	sand.u32 $0x6, s6;
	(pc) =	sbr.rel @!p3 .LBB2_3-.Ltmp0, $4  }
0xa: {  	p2 =	por $0x0, $0x0;
	[smem:$0x7FF] =	sst s7;
	s5 =	sor.u32 s5, s6  }
0xb: {  	s31 =	sand.u32 $0xC, s1;
	p1 =	sgt.u32 s1, $0x3;
	s30 =	sshll.u32 s5, $0x4  }
0xc: {  	_ =	strace $0x80000047;
	p0 =	sne.s32 s31, $0x4;
	s7 =	sor.u32 $0x800, s30  }
0xd: {  	s5 =	sadd.s32 s28, s30;
	s4 =	sadd.s32 s3, s7;
	s3 =	sadd.s32 s28, s7  }
0xe: {  	s6 =	simm.s32 @!p1 $0x0;
	s7 =	simm.s32 @!p1 $0x1  }
0xf: {  	[tilespmem:s6], [sflag:$0x1] =	stream.linear.gather @!p1 [hbm4b:s2+s6], $0x800, $0x38;
	[tilespmem:$0x800] =	vst v63  }
0x10: {  	_ =	swait.ge @!p1 [sflag:s7], $0x800  }
0x11: {  	[sflag:s7] =	ssyncset.done @!p1 $0x0  }
0x12: {  	s9 =	simm.s32 @!p1 $0x80;
	s10 =	simm.s32 @!p1 $0x400;
	[sflag:s7] =	ssyncadd.s32 @!p1 $0xFFFFF800  }
0x13: {  	[hbm4b:s5+s9] =	stream.strided.scatter @!p1 [tilespmem:s6], [sflag:$0x1], $0x800, s10, s9, $0x38;
	[tilespmem:$0x800] =	vst v63  }
0x14: {  	s11 =	simm.s32 @!p0 $0x0;
	_ =	swait.ge @!p1 [sflag:s7], $0x800  }
0x15: {  	s8 =	simm.s32 @!p0 $0x1;
	s12 =	simm.s32 @!p0 $0x80;
	[sflag:s7] =	ssyncset.done @!p1 $0x0  }
0x16: {  	s13 =	simm.s32 @!p0 $0x400;
	s14 =	sadd.s32 $0xFFFFFFFF, s14;
	[sflag:s7] =	ssyncadd.s32 @!p1 $0xFFFFF800  }
0x17: {  	[tilespmem:s11], [sflag:$0x1] =	stream.strided.gather @!p0 [hbm4b:s4+s12], $0x800, s13, s12, $0x38;
	[tilespmem:$0x800] =	vst v63  }
0x18: {  	p3 =	sne.s32 s14, $0x0;
	_ =	swait.ge @!p0 [sflag:s8], $0x800  }
.Ltmp1:
0x19: {  	[sflag:s8] =	ssyncset.done @!p0 $0x0;
	(pc) =	sbr.rel @!p3 .LBB2_3-.Ltmp1, $4  }
0x1a: {  	[sflag:s8] =	ssyncadd.s32 @!p0 $0xFFFFF800  }
0x1b: {  	[hbm4b:s3+s12] =	stream.strided.scatter @!p0 [tilespmem:s11], [sflag:$0x1], $0x800, s13, s12, $0x38;
	[tilespmem:$0x800] =	vst v63  }
0x1c: {  	_ =	swait.ge @!p0 [sflag:s8], $0x800  }
0x1d: {  	p2 =	por $0x1, $0x1;
	[sflag:s8] =	ssyncset.done @!p0 $0x0  }
.LBB2_2:
0x1e: {  	[sflag:s8] =	ssyncadd.s32 @!p0 $0xFFFFF800  }
0x1f: {  	[tilespmem:s6], [sflag:$0x1] =	stream.linear.gather @!p1 [hbm4b:s2+s6], $0x800, $0x38;
	[tilespmem:$0x800] =	vst v63  }
0x20: {  	s14 =	sadd.s32 $0xFFFFFFFF, s14;
	_ =	swait.ge @!p1 [sflag:s7], $0x800  }
0x21: {  	p3 =	sne.s32 s14, $0x0;
	[sflag:s7] =	ssyncset.done @!p1 $0x0  }
0x22: {  	[sflag:s7] =	ssyncadd.s32 @!p1 $0xFFFFF800  }
0x23: {  	[hbm4b:s5+s9] =	stream.strided.scatter @!p1 [tilespmem:s6], [sflag:$0x1], $0x800, s10, s9, $0x38;
	[tilespmem:$0x800] =	vst v63  }
0x24: {  	_ =	swait.ge @!p1 [sflag:s7], $0x800  }
0x25: {  	[sflag:s7] =	ssyncset.done @!p1 $0x0  }
0x26: {  	[sflag:s7] =	ssyncadd.s32 @!p1 $0xFFFFF800  }
0x27: {  	[tilespmem:s11], [sflag:$0x1] =	stream.strided.gather @!p0 [hbm4b:s4+s12], $0x800, s13, s12, $0x38;
	[tilespmem:$0x800] =	vst v63  }
0x28: {  	_ =	swait.ge @!p0 [sflag:s8], $0x800  }
.Ltmp2:
0x29: {  	[sflag:s8] =	ssyncset.done @!p0 $0x0;
	(pc) =	sbr.rel @p3 .LBB2_2-.Ltmp2, $4  }
0x2a: {  	[sflag:s8] =	ssyncadd.s32 @!p0 $0xFFFFF800  }
0x2b: {  	[hbm4b:s3+s12] =	stream.strided.scatter @!p0 [tilespmem:s11], [sflag:$0x1], $0x800, s13, s12, $0x38;
	[tilespmem:$0x800] =	vst v63  }
0x2c: {  	_ =	swait.ge @!p0 [sflag:s8], $0x800  }
0x2d: {  	[sflag:s8] =	ssyncset.done @!p0 $0x0  }
.LBB2_3:
0x2e: {  	p2 =	por p0, !p2  }
0x2f: {  	s6 =	simm.s32 @!p1 $0x0;
	s7 =	simm.s32 @!p1 $0x1;
	[sflag:s8] =	ssyncadd.s32 @!p2 $0xFFFFF800  }
0x30: {  	[tilespmem:s6], [sflag:$0x1] =	stream.linear.gather @!p1 [hbm4b:s2+s6], $0x800, $0x38;
	[tilespmem:$0x800] =	vst v63  }
0x31: {  	_ =	swait.ge @!p1 [sflag:s7], $0x800  }
0x32: {  	[sflag:s7] =	ssyncset.done @!p1 $0x0  }
0x33: {  	s8 =	simm.s32 @!p1 $0x400;
	s2 =	simm.s32 @!p1 $0x80;
	[sflag:s7] =	ssyncadd.s32 @!p1 $0xFFFFF800  }
0x34: {  	[hbm4b:s5+s2] =	stream.strided.scatter @!p1 [tilespmem:s6], [sflag:$0x1], $0x800, s8, s2, $0x38;
	[tilespmem:$0x800] =	vst v63  }
0x35: {  	_ =	swait.ge @!p1 [sflag:s7], $0x800  }
0x36: {  	s2 =	simm.s32 @!p0 $0x0;
	s5 =	simm.s32 @!p0 $0x1;
	[sflag:s7] =	ssyncset.done @!p1 $0x0  }
0x37: {  	s6 =	simm.s32 @!p0 $0x80;
	[sflag:s7] =	ssyncadd.s32 @!p1 $0xFFFFF800;
	s7 =	simm.s32 @!p0 $0x400  }
0x38: {  	[tilespmem:s2], [sflag:$0x1] =	stream.strided.gather @!p0 [hbm4b:s4+s6], $0x800, s7, s6, $0x38;
	[tilespmem:$0x800] =	vst v63  }
0x39: {  	_ =	swait.ge @!p0 [sflag:s5], $0x800  }
0x3a: {  	[sflag:s5] =	ssyncset.done @!p0 $0x0  }
0x3b: {  	[sflag:s5] =	ssyncadd.s32 @!p0 $0xFFFFF800  }
0x3c: {  	[hbm4b:s3+s6] =	stream.strided.scatter @!p0 [tilespmem:s2], [sflag:$0x1], $0x800, s7, s6, $0x38;
	[tilespmem:$0x800] =	vst v63  }
0x3d: {  	_ =	swait.ge @!p0 [sflag:s5], $0x800  }
0x3e: {  	[sflag:s5] =	ssyncset.done @!p0 $0x0  }
0x3f: {  	[sflag:s5] =	ssyncadd.s32 @!p0 $0xFFFFF800  }
0x40: {  	_ =	sfence.sel $0x180000  }
0x41: {  	[bflag:$0x0] =	sbarrier.arrive $0xFFFF  }
0x42: {  	p0 =	sne.s32 s1, $0x0;
	_ =	strace $0x90000047  }
0x43: {  	s0 =	sadd.s32 @!p0 $0x100000, s0;
	[bflag:$0x2] =	sbarrier.arrive $0xFFFF  }
0x44: {  	[sflag:s0] =	ssyncadd.tile.s32 @!p0 $0x1;
	_ =	shalt  }
.Lfunc_end2:
_tile_overlayer_lowered:
.L_overlay_start_2:
0x45: {  	(tag) =	ssettag $0x2  }
0x46: {  	s0 =	rddreg [dreg:$0x0];
	s2 =	stileid.u32  }
0x47: {  	s1 =	rddreg [dreg:$0x1];
	p0 =	sne.s32 s2, $0x0  }
0x48: {  	s3 =	rddreg [dreg:$0x2];
	[bflag:$0x3] =	sbarrier.arrive $0xFFFF;
	s2 =	simm.s32 @!p0 $0x1C01  }
0x49: {  	[timem:s3], [sflag:s2] =	dma.local @!p0 [hbm:s0], s1  }
0x4a: {  	s0 =	simm.s32 @!p0 $0x1  }
0x4b: {  	_ =	swait.ge @!p0 [sflag:s0], s1  }
0x4c: {  	s1 =	ssub.s32 @!p0 $0x0, s1;
	[sflag:s0] =	ssyncset.done @!p0 $0x0  }
0x4d: {  	[sflag:s0] =	ssyncadd.s32 @!p0 s1  }
0x4e: {  	[bflag:$0x3] =	sbarrier.arrive $0xFFFF  }
0x4f: {  	_ =	shalt  }

</sc_bundles>
